<compile_context>
chip_gen: v7x
topology: tpu7x:2x2x1
jax: 0.10.2.dev20260603
libtpu: 0.0.44.dev20260713+nightly
codegen_flags: <defaults>
</compile_context>

<pallas_src>
import functools

import jax
import jax.numpy as jnp
from jax import lax
from jax.experimental import pallas as pl
from jax.experimental.pallas import tpu as pltpu
from jax.experimental.pallas import tpu_sc as plsc

VOCAB = 100000
EMBED_DIM = 128
BATCH = 4096
NUM_FIELDS = 26

NC = 2
NS = 16
NW = NC * NS
TOTAL = BATCH * NUM_FIELDS
PERW = TOTAL // NW
CH = 416
NCH = PERW // CH
NBUF = 2
assert PERW == NCH * CH

_MESH = plsc.VectorSubcoreMesh(
    core_axis_name="c", subcore_axis_name="s", num_cores=NC, num_subcores=NS
)


@functools.partial(
    pl.kernel,
    out_type=jax.ShapeDtypeStruct((TOTAL, EMBED_DIM), jnp.float32),
    mesh=_MESH,
    scratch_types=[
        pltpu.VMEM((PERW,), jnp.int32),
        [pltpu.VMEM((CH, EMBED_DIM), jnp.float32) for _ in range(NBUF)],
        [pltpu.SemaphoreType.DMA for _ in range(NBUF)],
        [pltpu.SemaphoreType.DMA for _ in range(NBUF)],
    ],
)
def _sc_gather(idx_hbm, table_hbm, out_hbm, idx_v, bufs, gsems, wsems):
    wid = lax.axis_index("c") * NS + lax.axis_index("s")
    base = wid * PERW
    pltpu.sync_copy(idx_hbm.at[pl.ds(base, PERW)], idx_v)

    def idx_slc(j):
        return idx_v.at[pl.ds(j * CH, CH)]

    def out_slc(j):
        return out_hbm.at[pl.ds(base + j * CH, CH)]

    for b in range(NBUF):
        pltpu.async_copy(table_hbm.at[idx_slc(b)], bufs[b], gsems[b])

    for cur in range(NCH):
        b = cur % NBUF
        pltpu.make_async_copy(
            table_hbm.at[idx_slc(cur)], bufs[b], gsems[b]
        ).wait()
        pltpu.async_copy(bufs[b], out_slc(cur), wsems[b])
        if cur + NBUF < NCH:
            pltpu.make_async_copy(bufs[b], out_slc(cur), wsems[b]).wait()
            pltpu.async_copy(
                table_hbm.at[idx_slc(cur + NBUF)], bufs[b], gsems[b]
            )

    for b in range(NBUF):
        pltpu.make_async_copy(
            bufs[b], out_hbm.at[pl.ds(0, CH)], wsems[b]
        ).wait()


def kernel(x, W):
    idx = x.T.astype(jnp.int32).reshape(TOTAL)
    out = _sc_gather(idx, W)
    return out.reshape(NUM_FIELDS, BATCH, EMBED_DIM).transpose(1, 0, 2)

# --- scband reference (transcript-rebuilt; emitter-appended) ---
"""Pipeline reference for scband-features-embedding-42674795053387 (READ-ONLY COPY).

The authoritative reference and input builder live on the scoring server;
editing this copy changes nothing except your own understanding.
"""

import jax, jax.numpy as jnp
import numpy as np

VOCAB = 100000
EMBED_DIM = 128
BATCH = 4096
NUM_FIELDS = 26


def setup_inputs(seed: int = 0) -> dict:
    key = jax.random.key(seed)
    k_idx, k_w = jax.random.split(key)
    x = jax.random.randint(k_idx, (BATCH, NUM_FIELDS), 0, VOCAB, dtype=jnp.int64 if jax.config.jax_enable_x64 else jnp.int32)
    # torch.nn.Embedding default init: N(0, 1)
    W = jax.random.normal(k_w, (VOCAB, EMBED_DIM), dtype=jnp.float32)
    return {"x": x, "W": W}


def reference(x, W):
    # embedding lookup: (batch, num_fields) -> (batch, num_fields, embed_dim)
    return jnp.take(W, x, axis=0)

if __name__ == "__main__":
    import jax
    _d = setup_inputs()
    print(jax.jit(kernel)(*tuple(_d.values())))

</pallas_src>

<mosaic_0001>
#map = affine_map<(d0, d1) -> (0)>
#map1 = affine_map<(d0, d1) -> (0, 0)>
module attributes {stable_mosaic.version = 14 : i64} {
  func.func @_sc_gather(%arg0: i32, %arg1: i32, %arg2: memref<106496xi32, #tpu.memory_space<hbm>>, %arg3: memref<100000x128xf32, #tpu.memory_space<hbm>>, %arg4: memref<106496x128xf32, #tpu.memory_space<hbm>>, %arg5: memref<3328xi32, #tpu.memory_space<vmem>>, %arg6: memref<416x128xf32, #tpu.memory_space<vmem>>, %arg7: memref<416x128xf32, #tpu.memory_space<vmem>>, %arg8: memref<!tpu.dma_semaphore, #tpu.memory_space<semaphore_mem>>, %arg9: memref<!tpu.dma_semaphore, #tpu.memory_space<semaphore_mem>>, %arg10: memref<!tpu.dma_semaphore, #tpu.memory_space<semaphore_mem>>, %arg11: memref<!tpu.dma_semaphore, #tpu.memory_space<semaphore_mem>>) attributes {dimension_semantics = [#tpu.dimension_semantics<core_parallel>, #tpu.dimension_semantics<subcore_parallel>], iteration_bounds = array<i64: 2, 16>, scalar_prefetch = 0 : i64, scratch_operands = 7 : i64, tpu.core_type = #tpu.core_type<sc_vector_subcore>, window_params = [{transform_indices = #map}, {transform_indices = #map1}, {transform_indices = #map1}]} {
    %mul3A = arith.constant 16 : i32
    %mul3A_0 = arith.muli %arg0, %mul3A : i32
    %add3A = arith.addi %mul3A_0, %arg1 : i32
    %mul3A_1 = arith.constant 3328 : i32
    %mul3A_2 = arith.muli %add3A, %mul3A_1 : i32
    "tpu.region"() ({
      %run_scoped3A = tpu.sem_alloc : memref<!tpu.dma_semaphore, #tpu.memory_space<semaphore_mem>>
      %dma_start3A_177 = tpu.memref_slice %arg2[%mul3A_2] : memref<106496xi32, #tpu.memory_space<hbm>> -> memref<3328xi32, #tpu.memory_space<hbm>>
      %dma_start3A_178 = tpu.memref_slice %arg2[%mul3A_2] : memref<106496xi32, #tpu.memory_space<hbm>> -> memref<3328xi32, #tpu.memory_space<hbm>>
      tpu.enqueue_dma source(%dma_start3A_178 : memref<3328xi32, #tpu.memory_space<hbm>>) target(%arg5 : memref<3328xi32, #tpu.memory_space<vmem>>) target_semaphore(%run_scoped3A : memref<!tpu.dma_semaphore, #tpu.memory_space<semaphore_mem>>)
      %dma_wait3A_179 = tpu.memref_slice %arg2[%mul3A_2] : memref<106496xi32, #tpu.memory_space<hbm>> -> memref<3328xi32, #tpu.memory_space<hbm>>
      %dma_wait3A_180 = tpu.memref_slice %arg2[%mul3A_2] : memref<106496xi32, #tpu.memory_space<hbm>> -> memref<3328xi32, #tpu.memory_space<hbm>>
      tpu.wait_dma2 semaphore(%run_scoped3A : memref<!tpu.dma_semaphore, #tpu.memory_space<semaphore_mem>>) src(%dma_wait3A_180 : memref<3328xi32, #tpu.memory_space<hbm>>) dst(%arg5 : memref<3328xi32, #tpu.memory_space<vmem>>)
      tpu.yield
    }) : () -> ()
    %dma_start3A = arith.constant 0 : i32
    %dma_start3A_3 = tpu.memref_slice %arg5[%dma_start3A] : memref<3328xi32, #tpu.memory_space<vmem>> -> memref<416xi32, #tpu.memory_space<vmem>>
    %dma_start3A_4 = arith.constant 0 : i32
    %dma_start3A_5 = arith.constant 0 : i32
    %dma_start3A_6 = tpu.memref_slice %arg3[%dma_start3A_4, %dma_start3A_5] : memref<100000x128xf32, #tpu.memory_space<hbm>> -> memref<100000x128xf32, #tpu.memory_space<hbm>>
    tpu.enqueue_indirect_dma source(%dma_start3A_6 : memref<100000x128xf32, #tpu.memory_space<hbm>>) target(%arg6 : memref<416x128xf32, #tpu.memory_space<vmem>>) offsets(%dma_start3A_3 : memref<416xi32, #tpu.memory_space<vmem>>) semaphore(%arg8 : memref<!tpu.dma_semaphore, #tpu.memory_space<semaphore_mem>>)
    %dma_start3A_7 = arith.constant 416 : i32
    %dma_start3A_8 = tpu.memref_slice %arg5[%dma_start3A_7] : memref<3328xi32, #tpu.memory_space<vmem>> -> memref<416xi32, #tpu.memory_space<vmem>>
    %dma_start3A_9 = arith.constant 0 : i32
    %dma_start3A_10 = arith.constant 0 : i32
    %dma_start3A_11 = tpu.memref_slice %arg3[%dma_start3A_9, %dma_start3A_10] : memref<100000x128xf32, #tpu.memory_space<hbm>> -> memref<100000x128xf32, #tpu.memory_space<hbm>>
    tpu.enqueue_indirect_dma source(%dma_start3A_11 : memref<100000x128xf32, #tpu.memory_space<hbm>>) target(%arg7 : memref<416x128xf32, #tpu.memory_space<vmem>>) offsets(%dma_start3A_8 : memref<416xi32, #tpu.memory_space<vmem>>) semaphore(%arg9 : memref<!tpu.dma_semaphore, #tpu.memory_space<semaphore_mem>>)
    %dma_wait3A = arith.constant 0 : i32
    %dma_wait3A_12 = tpu.memref_slice %arg5[%dma_wait3A] : memref<3328xi32, #tpu.memory_space<vmem>> -> memref<416xi32, #tpu.memory_space<vmem>>
    %dma_wait3A_13 = arith.constant 0 : i32
    %dma_wait3A_14 = arith.constant 0 : i32
    %dma_wait3A_15 = tpu.memref_slice %arg3[%dma_wait3A_13, %dma_wait3A_14] : memref<100000x128xf32, #tpu.memory_space<hbm>> -> memref<100000x128xf32, #tpu.memory_space<hbm>>
    tpu.wait_indirect_dma semaphore(%arg8 : memref<!tpu.dma_semaphore, #tpu.memory_space<semaphore_mem>>) src(%dma_wait3A_15 : memref<100000x128xf32, #tpu.memory_space<hbm>>) dst(%arg6 : memref<416x128xf32, #tpu.memory_space<vmem>>)
    %add3A_16 = arith.constant 0 : i32
    %add3A_17 = arith.addi %mul3A_2, %add3A_16 : i32
    %dma_start3A_18 = arith.constant 0 : i32
    %dma_start3A_19 = tpu.memref_slice %arg4[%add3A_17, %dma_start3A_18] : memref<106496x128xf32, #tpu.memory_space<hbm>> -> memref<416x128xf32, #tpu.memory_space<hbm>>
    %dma_start3A_20 = arith.constant 0 : i32
    %dma_start3A_21 = tpu.memref_slice %arg4[%add3A_17, %dma_start3A_20] : memref<106496x128xf32, #tpu.memory_space<hbm>> -> memref<416x128xf32, #tpu.memory_space<hbm>>
    tpu.enqueue_dma source(%arg6 : memref<416x128xf32, #tpu.memory_space<vmem>>) target(%dma_start3A_21 : memref<416x128xf32, #tpu.memory_space<hbm>>) target_semaphore(%arg10 : memref<!tpu.dma_semaphore, #tpu.memory_space<semaphore_mem>>)
    %add3A_22 = arith.constant 0 : i32
    %add3A_23 = arith.addi %mul3A_2, %add3A_22 : i32
    %dma_wait3A_24 = arith.constant 0 : i32
    %dma_wait3A_25 = tpu.memref_slice %arg4[%add3A_23, %dma_wait3A_24] : memref<106496x128xf32, #tpu.memory_space<hbm>> -> memref<416x128xf32, #tpu.memory_space<hbm>>
    %dma_wait3A_26 = arith.constant 0 : i32
    %dma_wait3A_27 = tpu.memref_slice %arg4[%add3A_23, %dma_wait3A_26] : memref<106496x128xf32, #tpu.memory_space<hbm>> -> memref<416x128xf32, #tpu.memory_space<hbm>>
    tpu.wait_dma2 semaphore(%arg10 : memref<!tpu.dma_semaphore, #tpu.memory_space<semaphore_mem>>) src(%arg6 : memref<416x128xf32, #tpu.memory_space<vmem>>) dst(%dma_wait3A_27 : memref<416x128xf32, #tpu.memory_space<hbm>>)
    %dma_start3A_28 = arith.constant 832 : i32
    %dma_start3A_29 = tpu.memref_slice %arg5[%dma_start3A_28] : memref<3328xi32, #tpu.memory_space<vmem>> -> memref<416xi32, #tpu.memory_space<vmem>>
    %dma_start3A_30 = arith.constant 0 : i32
    %dma_start3A_31 = arith.constant 0 : i32
    %dma_start3A_32 = tpu.memref_slice %arg3[%dma_start3A_30, %dma_start3A_31] : memref<100000x128xf32, #tpu.memory_space<hbm>> -> memref<100000x128xf32, #tpu.memory_space<hbm>>
    tpu.enqueue_indirect_dma source(%dma_start3A_32 : memref<100000x128xf32, #tpu.memory_space<hbm>>) target(%arg6 : memref<416x128xf32, #tpu.memory_space<vmem>>) offsets(%dma_start3A_29 : memref<416xi32, #tpu.memory_space<vmem>>) semaphore(%arg8 : memref<!tpu.dma_semaphore, #tpu.memory_space<semaphore_mem>>)
    %dma_wait3A_33 = arith.constant 416 : i32
    %dma_wait3A_34 = tpu.memref_slice %arg5[%dma_wait3A_33] : memref<3328xi32, #tpu.memory_space<vmem>> -> memref<416xi32, #tpu.memory_space<vmem>>
    %dma_wait3A_35 = arith.constant 0 : i32
    %dma_wait3A_36 = arith.constant 0 : i32
    %dma_wait3A_37 = tpu.memref_slice %arg3[%dma_wait3A_35, %dma_wait3A_36] : memref<100000x128xf32, #tpu.memory_space<hbm>> -> memref<100000x128xf32, #tpu.memory_space<hbm>>
    tpu.wait_indirect_dma semaphore(%arg9 : memref<!tpu.dma_semaphore, #tpu.memory_space<semaphore_mem>>) src(%dma_wait3A_37 : memref<100000x128xf32, #tpu.memory_space<hbm>>) dst(%arg7 : memref<416x128xf32, #tpu.memory_space<vmem>>)
    %add3A_38 = arith.constant 416 : i32
    %add3A_39 = arith.addi %mul3A_2, %add3A_38 : i32
    %dma_start3A_40 = arith.constant 0 : i32
    %dma_start3A_41 = tpu.memref_slice %arg4[%add3A_39, %dma_start3A_40] : memref<106496x128xf32, #tpu.memory_space<hbm>> -> memref<416x128xf32, #tpu.memory_space<hbm>>
    %dma_start3A_42 = arith.constant 0 : i32
    %dma_start3A_43 = tpu.memref_slice %arg4[%add3A_39, %dma_start3A_42] : memref<106496x128xf32, #tpu.memory_space<hbm>> -> memref<416x128xf32, #tpu.memory_space<hbm>>
    tpu.enqueue_dma source(%arg7 : memref<416x128xf32, #tpu.memory_space<vmem>>) target(%dma_start3A_43 : memref<416x128xf32, #tpu.memory_space<hbm>>) target_semaphore(%arg11 : memref<!tpu.dma_semaphore, #tpu.memory_space<semaphore_mem>>)
    %add3A_44 = arith.constant 416 : i32
    %add3A_45 = arith.addi %mul3A_2, %add3A_44 : i32
    %dma_wait3A_46 = arith.constant 0 : i32
    %dma_wait3A_47 = tpu.memref_slice %arg4[%add3A_45, %dma_wait3A_46] : memref<106496x128xf32, #tpu.memory_space<hbm>> -> memref<416x128xf32, #tpu.memory_space<hbm>>
    %dma_wait3A_48 = arith.constant 0 : i32
    %dma_wait3A_49 = tpu.memref_slice %arg4[%add3A_45, %dma_wait3A_48] : memref<106496x128xf32, #tpu.memory_space<hbm>> -> memref<416x128xf32, #tpu.memory_space<hbm>>
    tpu.wait_dma2 semaphore(%arg11 : memref<!tpu.dma_semaphore, #tpu.memory_space<semaphore_mem>>) src(%arg7 : memref<416x128xf32, #tpu.memory_space<vmem>>) dst(%dma_wait3A_49 : memref<416x128xf32, #tpu.memory_space<hbm>>)
    %dma_start3A_50 = arith.constant 1248 : i32
    %dma_start3A_51 = tpu.memref_slice %arg5[%dma_start3A_50] : memref<3328xi32, #tpu.memory_space<vmem>> -> memref<416xi32, #tpu.memory_space<vmem>>
    %dma_start3A_52 = arith.constant 0 : i32
    %dma_start3A_53 = arith.constant 0 : i32
    %dma_start3A_54 = tpu.memref_slice %arg3[%dma_start3A_52, %dma_start3A_53] : memref<100000x128xf32, #tpu.memory_space<hbm>> -> memref<100000x128xf32, #tpu.memory_space<hbm>>
    tpu.enqueue_indirect_dma source(%dma_start3A_54 : memref<100000x128xf32, #tpu.memory_space<hbm>>) target(%arg7 : memref<416x128xf32, #tpu.memory_space<vmem>>) offsets(%dma_start3A_51 : memref<416xi32, #tpu.memory_space<vmem>>) semaphore(%arg9 : memref<!tpu.dma_semaphore, #tpu.memory_space<semaphore_mem>>)
    %dma_wait3A_55 = arith.constant 832 : i32
    %dma_wait3A_56 = tpu.memref_slice %arg5[%dma_wait3A_55] : memref<3328xi32, #tpu.memory_space<vmem>> -> memref<416xi32, #tpu.memory_space<vmem>>
    %dma_wait3A_57 = arith.constant 0 : i32
    %dma_wait3A_58 = arith.constant 0 : i32
    %dma_wait3A_59 = tpu.memref_slice %arg3[%dma_wait3A_57, %dma_wait3A_58] : memref<100000x128xf32, #tpu.memory_space<hbm>> -> memref<100000x128xf32, #tpu.memory_space<hbm>>
    tpu.wait_indirect_dma semaphore(%arg8 : memref<!tpu.dma_semaphore, #tpu.memory_space<semaphore_mem>>) src(%dma_wait3A_59 : memref<100000x128xf32, #tpu.memory_space<hbm>>) dst(%arg6 : memref<416x128xf32, #tpu.memory_space<vmem>>)
    %add3A_60 = arith.constant 832 : i32
    %add3A_61 = arith.addi %mul3A_2, %add3A_60 : i32
    %dma_start3A_62 = arith.constant 0 : i32
    %dma_start3A_63 = tpu.memref_slice %arg4[%add3A_61, %dma_start3A_62] : memref<106496x128xf32, #tpu.memory_space<hbm>> -> memref<416x128xf32, #tpu.memory_space<hbm>>
    %dma_start3A_64 = arith.constant 0 : i32
    %dma_start3A_65 = tpu.memref_slice %arg4[%add3A_61, %dma_start3A_64] : memref<106496x128xf32, #tpu.memory_space<hbm>> -> memref<416x128xf32, #tpu.memory_space<hbm>>
    tpu.enqueue_dma source(%arg6 : memref<416x128xf32, #tpu.memory_space<vmem>>) target(%dma_start3A_65 : memref<416x128xf32, #tpu.memory_space<hbm>>) target_semaphore(%arg10 : memref<!tpu.dma_semaphore, #tpu.memory_space<semaphore_mem>>)
    %add3A_66 = arith.constant 832 : i32
    %add3A_67 = arith.addi %mul3A_2, %add3A_66 : i32
    %dma_wait3A_68 = arith.constant 0 : i32
    %dma_wait3A_69 = tpu.memref_slice %arg4[%add3A_67, %dma_wait3A_68] : memref<106496x128xf32, #tpu.memory_space<hbm>> -> memref<416x128xf32, #tpu.memory_space<hbm>>
    %dma_wait3A_70 = arith.constant 0 : i32
    %dma_wait3A_71 = tpu.memref_slice %arg4[%add3A_67, %dma_wait3A_70] : memref<106496x128xf32, #tpu.memory_space<hbm>> -> memref<416x128xf32, #tpu.memory_space<hbm>>
    tpu.wait_dma2 semaphore(%arg10 : memref<!tpu.dma_semaphore, #tpu.memory_space<semaphore_mem>>) src(%arg6 : memref<416x128xf32, #tpu.memory_space<vmem>>) dst(%dma_wait3A_71 : memref<416x128xf32, #tpu.memory_space<hbm>>)
    %dma_start3A_72 = arith.constant 1664 : i32
    %dma_start3A_73 = tpu.memref_slice %arg5[%dma_start3A_72] : memref<3328xi32, #tpu.memory_space<vmem>> -> memref<416xi32, #tpu.memory_space<vmem>>
    %dma_start3A_74 = arith.constant 0 : i32
    %dma_start3A_75 = arith.constant 0 : i32
    %dma_start3A_76 = tpu.memref_slice %arg3[%dma_start3A_74, %dma_start3A_75] : memref<100000x128xf32, #tpu.memory_space<hbm>> -> memref<100000x128xf32, #tpu.memory_space<hbm>>
    tpu.enqueue_indirect_dma source(%dma_start3A_76 : memref<100000x128xf32, #tpu.memory_space<hbm>>) target(%arg6 : memref<416x128xf32, #tpu.memory_space<vmem>>) offsets(%dma_start3A_73 : memref<416xi32, #tpu.memory_space<vmem>>) semaphore(%arg8 : memref<!tpu.dma_semaphore, #tpu.memory_space<semaphore_mem>>)
    %dma_wait3A_77 = arith.constant 1248 : i32
    %dma_wait3A_78 = tpu.memref_slice %arg5[%dma_wait3A_77] : memref<3328xi32, #tpu.memory_space<vmem>> -> memref<416xi32, #tpu.memory_space<vmem>>
    %dma_wait3A_79 = arith.constant 0 : i32
    %dma_wait3A_80 = arith.constant 0 : i32
    %dma_wait3A_81 = tpu.memref_slice %arg3[%dma_wait3A_79, %dma_wait3A_80] : memref<100000x128xf32, #tpu.memory_space<hbm>> -> memref<100000x128xf32, #tpu.memory_space<hbm>>
    tpu.wait_indirect_dma semaphore(%arg9 : memref<!tpu.dma_semaphore, #tpu.memory_space<semaphore_mem>>) src(%dma_wait3A_81 : memref<100000x128xf32, #tpu.memory_space<hbm>>) dst(%arg7 : memref<416x128xf32, #tpu.memory_space<vmem>>)
    %add3A_82 = arith.constant 1248 : i32
    %add3A_83 = arith.addi %mul3A_2, %add3A_82 : i32
    %dma_start3A_84 = arith.constant 0 : i32
    %dma_start3A_85 = tpu.memref_slice %arg4[%add3A_83, %dma_start3A_84] : memref<106496x128xf32, #tpu.memory_space<hbm>> -> memref<416x128xf32, #tpu.memory_space<hbm>>
    %dma_start3A_86 = arith.constant 0 : i32
    %dma_start3A_87 = tpu.memref_slice %arg4[%add3A_83, %dma_start3A_86] : memref<106496x128xf32, #tpu.memory_space<hbm>> -> memref<416x128xf32, #tpu.memory_space<hbm>>
    tpu.enqueue_dma source(%arg7 : memref<416x128xf32, #tpu.memory_space<vmem>>) target(%dma_start3A_87 : memref<416x128xf32, #tpu.memory_space<hbm>>) target_semaphore(%arg11 : memref<!tpu.dma_semaphore, #tpu.memory_space<semaphore_mem>>)
    %add3A_88 = arith.constant 1248 : i32
    %add3A_89 = arith.addi %mul3A_2, %add3A_88 : i32
    %dma_wait3A_90 = arith.constant 0 : i32
    %dma_wait3A_91 = tpu.memref_slice %arg4[%add3A_89, %dma_wait3A_90] : memref<106496x128xf32, #tpu.memory_space<hbm>> -> memref<416x128xf32, #tpu.memory_space<hbm>>
    %dma_wait3A_92 = arith.constant 0 : i32
    %dma_wait3A_93 = tpu.memref_slice %arg4[%add3A_89, %dma_wait3A_92] : memref<106496x128xf32, #tpu.memory_space<hbm>> -> memref<416x128xf32, #tpu.memory_space<hbm>>
    tpu.wait_dma2 semaphore(%arg11 : memref<!tpu.dma_semaphore, #tpu.memory_space<semaphore_mem>>) src(%arg7 : memref<416x128xf32, #tpu.memory_space<vmem>>) dst(%dma_wait3A_93 : memref<416x128xf32, #tpu.memory_space<hbm>>)
    %dma_start3A_94 = arith.constant 2080 : i32
    %dma_start3A_95 = tpu.memref_slice %arg5[%dma_start3A_94] : memref<3328xi32, #tpu.memory_space<vmem>> -> memref<416xi32, #tpu.memory_space<vmem>>
    %dma_start3A_96 = arith.constant 0 : i32
    %dma_start3A_97 = arith.constant 0 : i32
    %dma_start3A_98 = tpu.memref_slice %arg3[%dma_start3A_96, %dma_start3A_97] : memref<100000x128xf32, #tpu.memory_space<hbm>> -> memref<100000x128xf32, #tpu.memory_space<hbm>>
    tpu.enqueue_indirect_dma source(%dma_start3A_98 : memref<100000x128xf32, #tpu.memory_space<hbm>>) target(%arg7 : memref<416x128xf32, #tpu.memory_space<vmem>>) offsets(%dma_start3A_95 : memref<416xi32, #tpu.memory_space<vmem>>) semaphore(%arg9 : memref<!tpu.dma_semaphore, #tpu.memory_space<semaphore_mem>>)
    %dma_wait3A_99 = arith.constant 1664 : i32
    %dma_wait3A_100 = tpu.memref_slice %arg5[%dma_wait3A_99] : memref<3328xi32, #tpu.memory_space<vmem>> -> memref<416xi32, #tpu.memory_space<vmem>>
    %dma_wait3A_101 = arith.constant 0 : i32
    %dma_wait3A_102 = arith.constant 0 : i32
    %dma_wait3A_103 = tpu.memref_slice %arg3[%dma_wait3A_101, %dma_wait3A_102] : memref<100000x128xf32, #tpu.memory_space<hbm>> -> memref<100000x128xf32, #tpu.memory_space<hbm>>
    tpu.wait_indirect_dma semaphore(%arg8 : memref<!tpu.dma_semaphore, #tpu.memory_space<semaphore_mem>>) src(%dma_wait3A_103 : memref<100000x128xf32, #tpu.memory_space<hbm>>) dst(%arg6 : memref<416x128xf32, #tpu.memory_space<vmem>>)
    %add3A_104 = arith.constant 1664 : i32
    %add3A_105 = arith.addi %mul3A_2, %add3A_104 : i32
    %dma_start3A_106 = arith.constant 0 : i32
    %dma_start3A_107 = tpu.memref_slice %arg4[%add3A_105, %dma_start3A_106] : memref<106496x128xf32, #tpu.memory_space<hbm>> -> memref<416x128xf32, #tpu.memory_space<hbm>>
    %dma_start3A_108 = arith.constant 0 : i32
    %dma_start3A_109 = tpu.memref_slice %arg4[%add3A_105, %dma_start3A_108] : memref<106496x128xf32, #tpu.memory_space<hbm>> -> memref<416x128xf32, #tpu.memory_space<hbm>>
    tpu.enqueue_dma source(%arg6 : memref<416x128xf32, #tpu.memory_space<vmem>>) target(%dma_start3A_109 : memref<416x128xf32, #tpu.memory_space<hbm>>) target_semaphore(%arg10 : memref<!tpu.dma_semaphore, #tpu.memory_space<semaphore_mem>>)
    %add3A_110 = arith.constant 1664 : i32
    %add3A_111 = arith.addi %mul3A_2, %add3A_110 : i32
    %dma_wait3A_112 = arith.constant 0 : i32
    %dma_wait3A_113 = tpu.memref_slice %arg4[%add3A_111, %dma_wait3A_112] : memref<106496x128xf32, #tpu.memory_space<hbm>> -> memref<416x128xf32, #tpu.memory_space<hbm>>
    %dma_wait3A_114 = arith.constant 0 : i32
    %dma_wait3A_115 = tpu.memref_slice %arg4[%add3A_111, %dma_wait3A_114] : memref<106496x128xf32, #tpu.memory_space<hbm>> -> memref<416x128xf32, #tpu.memory_space<hbm>>
    tpu.wait_dma2 semaphore(%arg10 : memref<!tpu.dma_semaphore, #tpu.memory_space<semaphore_mem>>) src(%arg6 : memref<416x128xf32, #tpu.memory_space<vmem>>) dst(%dma_wait3A_115 : memref<416x128xf32, #tpu.memory_space<hbm>>)
    %dma_start3A_116 = arith.constant 2496 : i32
    %dma_start3A_117 = tpu.memref_slice %arg5[%dma_start3A_116] : memref<3328xi32, #tpu.memory_space<vmem>> -> memref<416xi32, #tpu.memory_space<vmem>>
    %dma_start3A_118 = arith.constant 0 : i32
    %dma_start3A_119 = arith.constant 0 : i32
    %dma_start3A_120 = tpu.memref_slice %arg3[%dma_start3A_118, %dma_start3A_119] : memref<100000x128xf32, #tpu.memory_space<hbm>> -> memref<100000x128xf32, #tpu.memory_space<hbm>>
    tpu.enqueue_indirect_dma source(%dma_start3A_120 : memref<100000x128xf32, #tpu.memory_space<hbm>>) target(%arg6 : memref<416x128xf32, #tpu.memory_space<vmem>>) offsets(%dma_start3A_117 : memref<416xi32, #tpu.memory_space<vmem>>) semaphore(%arg8 : memref<!tpu.dma_semaphore, #tpu.memory_space<semaphore_mem>>)
    %dma_wait3A_121 = arith.constant 2080 : i32
    %dma_wait3A_122 = tpu.memref_slice %arg5[%dma_wait3A_121] : memref<3328xi32, #tpu.memory_space<vmem>> -> memref<416xi32, #tpu.memory_space<vmem>>
    %dma_wait3A_123 = arith.constant 0 : i32
    %dma_wait3A_124 = arith.constant 0 : i32
    %dma_wait3A_125 = tpu.memref_slice %arg3[%dma_wait3A_123, %dma_wait3A_124] : memref<100000x128xf32, #tpu.memory_space<hbm>> -> memref<100000x128xf32, #tpu.memory_space<hbm>>
    tpu.wait_indirect_dma semaphore(%arg9 : memref<!tpu.dma_semaphore, #tpu.memory_space<semaphore_mem>>) src(%dma_wait3A_125 : memref<100000x128xf32, #tpu.memory_space<hbm>>) dst(%arg7 : memref<416x128xf32, #tpu.memory_space<vmem>>)
    %add3A_126 = arith.constant 2080 : i32
    %add3A_127 = arith.addi %mul3A_2, %add3A_126 : i32
    %dma_start3A_128 = arith.constant 0 : i32
    %dma_start3A_129 = tpu.memref_slice %arg4[%add3A_127, %dma_start3A_128] : memref<106496x128xf32, #tpu.memory_space<hbm>> -> memref<416x128xf32, #tpu.memory_space<hbm>>
    %dma_start3A_130 = arith.constant 0 : i32
    %dma_start3A_131 = tpu.memref_slice %arg4[%add3A_127, %dma_start3A_130] : memref<106496x128xf32, #tpu.memory_space<hbm>> -> memref<416x128xf32, #tpu.memory_space<hbm>>
    tpu.enqueue_dma source(%arg7 : memref<416x128xf32, #tpu.memory_space<vmem>>) target(%dma_start3A_131 : memref<416x128xf32, #tpu.memory_space<hbm>>) target_semaphore(%arg11 : memref<!tpu.dma_semaphore, #tpu.memory_space<semaphore_mem>>)
    %add3A_132 = arith.constant 2080 : i32
    %add3A_133 = arith.addi %mul3A_2, %add3A_132 : i32
    %dma_wait3A_134 = arith.constant 0 : i32
    %dma_wait3A_135 = tpu.memref_slice %arg4[%add3A_133, %dma_wait3A_134] : memref<106496x128xf32, #tpu.memory_space<hbm>> -> memref<416x128xf32, #tpu.memory_space<hbm>>
    %dma_wait3A_136 = arith.constant 0 : i32
    %dma_wait3A_137 = tpu.memref_slice %arg4[%add3A_133, %dma_wait3A_136] : memref<106496x128xf32, #tpu.memory_space<hbm>> -> memref<416x128xf32, #tpu.memory_space<hbm>>
    tpu.wait_dma2 semaphore(%arg11 : memref<!tpu.dma_semaphore, #tpu.memory_space<semaphore_mem>>) src(%arg7 : memref<416x128xf32, #tpu.memory_space<vmem>>) dst(%dma_wait3A_137 : memref<416x128xf32, #tpu.memory_space<hbm>>)
    %dma_start3A_138 = arith.constant 2912 : i32
    %dma_start3A_139 = tpu.memref_slice %arg5[%dma_start3A_138] : memref<3328xi32, #tpu.memory_space<vmem>> -> memref<416xi32, #tpu.memory_space<vmem>>
    %dma_start3A_140 = arith.constant 0 : i32
    %dma_start3A_141 = arith.constant 0 : i32
    %dma_start3A_142 = tpu.memref_slice %arg3[%dma_start3A_140, %dma_start3A_141] : memref<100000x128xf32, #tpu.memory_space<hbm>> -> memref<100000x128xf32, #tpu.memory_space<hbm>>
    tpu.enqueue_indirect_dma source(%dma_start3A_142 : memref<100000x128xf32, #tpu.memory_space<hbm>>) target(%arg7 : memref<416x128xf32, #tpu.memory_space<vmem>>) offsets(%dma_start3A_139 : memref<416xi32, #tpu.memory_space<vmem>>) semaphore(%arg9 : memref<!tpu.dma_semaphore, #tpu.memory_space<semaphore_mem>>)
    %dma_wait3A_143 = arith.constant 2496 : i32
    %dma_wait3A_144 = tpu.memref_slice %arg5[%dma_wait3A_143] : memref<3328xi32, #tpu.memory_space<vmem>> -> memref<416xi32, #tpu.memory_space<vmem>>
    %dma_wait3A_145 = arith.constant 0 : i32
    %dma_wait3A_146 = arith.constant 0 : i32
    %dma_wait3A_147 = tpu.memref_slice %arg3[%dma_wait3A_145, %dma_wait3A_146] : memref<100000x128xf32, #tpu.memory_space<hbm>> -> memref<100000x128xf32, #tpu.memory_space<hbm>>
    tpu.wait_indirect_dma semaphore(%arg8 : memref<!tpu.dma_semaphore, #tpu.memory_space<semaphore_mem>>) src(%dma_wait3A_147 : memref<100000x128xf32, #tpu.memory_space<hbm>>) dst(%arg6 : memref<416x128xf32, #tpu.memory_space<vmem>>)
    %add3A_148 = arith.constant 2496 : i32
    %add3A_149 = arith.addi %mul3A_2, %add3A_148 : i32
    %dma_start3A_150 = arith.constant 0 : i32
    %dma_start3A_151 = tpu.memref_slice %arg4[%add3A_149, %dma_start3A_150] : memref<106496x128xf32, #tpu.memory_space<hbm>> -> memref<416x128xf32, #tpu.memory_space<hbm>>
    %dma_start3A_152 = arith.constant 0 : i32
    %dma_start3A_153 = tpu.memref_slice %arg4[%add3A_149, %dma_start3A_152] : memref<106496x128xf32, #tpu.memory_space<hbm>> -> memref<416x128xf32, #tpu.memory_space<hbm>>
    tpu.enqueue_dma source(%arg6 : memref<416x128xf32, #tpu.memory_space<vmem>>) target(%dma_start3A_153 : memref<416x128xf32, #tpu.memory_space<hbm>>) target_semaphore(%arg10 : memref<!tpu.dma_semaphore, #tpu.memory_space<semaphore_mem>>)
    %dma_wait3A_154 = arith.constant 2912 : i32
    %dma_wait3A_155 = tpu.memref_slice %arg5[%dma_wait3A_154] : memref<3328xi32, #tpu.memory_space<vmem>> -> memref<416xi32, #tpu.memory_space<vmem>>
    %dma_wait3A_156 = arith.constant 0 : i32
    %dma_wait3A_157 = arith.constant 0 : i32
    %dma_wait3A_158 = tpu.memref_slice %arg3[%dma_wait3A_156, %dma_wait3A_157] : memref<100000x128xf32, #tpu.memory_space<hbm>> -> memref<100000x128xf32, #tpu.memory_space<hbm>>
    tpu.wait_indirect_dma semaphore(%arg9 : memref<!tpu.dma_semaphore, #tpu.memory_space<semaphore_mem>>) src(%dma_wait3A_158 : memref<100000x128xf32, #tpu.memory_space<hbm>>) dst(%arg7 : memref<416x128xf32, #tpu.memory_space<vmem>>)
    %add3A_159 = arith.constant 2912 : i32
    %add3A_160 = arith.addi %mul3A_2, %add3A_159 : i32
    %dma_start3A_161 = arith.constant 0 : i32
    %dma_start3A_162 = tpu.memref_slice %arg4[%add3A_160, %dma_start3A_161] : memref<106496x128xf32, #tpu.memory_space<hbm>> -> memref<416x128xf32, #tpu.memory_space<hbm>>
    %dma_start3A_163 = arith.constant 0 : i32
    %dma_start3A_164 = tpu.memref_slice %arg4[%add3A_160, %dma_start3A_163] : memref<106496x128xf32, #tpu.memory_space<hbm>> -> memref<416x128xf32, #tpu.memory_space<hbm>>
    tpu.enqueue_dma source(%arg7 : memref<416x128xf32, #tpu.memory_space<vmem>>) target(%dma_start3A_164 : memref<416x128xf32, #tpu.memory_space<hbm>>) target_semaphore(%arg11 : memref<!tpu.dma_semaphore, #tpu.memory_space<semaphore_mem>>)
    %dma_wait3A_165 = arith.constant 0 : i32
    %dma_wait3A_166 = arith.constant 0 : i32
    %dma_wait3A_167 = tpu.memref_slice %arg4[%dma_wait3A_165, %dma_wait3A_166] : memref<106496x128xf32, #tpu.memory_space<hbm>> -> memref<416x128xf32, #tpu.memory_space<hbm>>
    %dma_wait3A_168 = arith.constant 0 : i32
    %dma_wait3A_169 = arith.constant 0 : i32
    %dma_wait3A_170 = tpu.memref_slice %arg4[%dma_wait3A_168, %dma_wait3A_169] : memref<106496x128xf32, #tpu.memory_space<hbm>> -> memref<416x128xf32, #tpu.memory_space<hbm>>
    tpu.wait_dma2 semaphore(%arg10 : memref<!tpu.dma_semaphore, #tpu.memory_space<semaphore_mem>>) src(%arg6 : memref<416x128xf32, #tpu.memory_space<vmem>>) dst(%dma_wait3A_170 : memref<416x128xf32, #tpu.memory_space<hbm>>)
    %dma_wait3A_171 = arith.constant 0 : i32
    %dma_wait3A_172 = arith.constant 0 : i32
    %dma_wait3A_173 = tpu.memref_slice %arg4[%dma_wait3A_171, %dma_wait3A_172] : memref<106496x128xf32, #tpu.memory_space<hbm>> -> memref<416x128xf32, #tpu.memory_space<hbm>>
    %dma_wait3A_174 = arith.constant 0 : i32
    %dma_wait3A_175 = arith.constant 0 : i32
    %dma_wait3A_176 = tpu.memref_slice %arg4[%dma_wait3A_174, %dma_wait3A_175] : memref<106496x128xf32, #tpu.memory_space<hbm>> -> memref<416x128xf32, #tpu.memory_space<hbm>>
    tpu.wait_dma2 semaphore(%arg11 : memref<!tpu.dma_semaphore, #tpu.memory_space<semaphore_mem>>) src(%arg7 : memref<416x128xf32, #tpu.memory_space<vmem>>) dst(%dma_wait3A_176 : memref<416x128xf32, #tpu.memory_space<hbm>>)
    return
  }
}

</mosaic_0001>

<sc_bundles>
// kernel: kernel.3.cloned.1.call-start
scs
__scs_entry_jumppad:
0x0: {  	(pc) =	sbr.rel $0x88, $3  }
0x1: {  	(tag) =	ssettag $0x0;
	lr =	simm.s32 $0x1  }
0x2: {  	[smem:$0x3F9F] =	sst lr;
	_ =	strace $0xD0000000  }
0x3: {  	_ = 	snop  }
0x4: {  	_ = 	snop  }
0x5: {  	_ = 	snop  }
0x6: {  	_ = 	snop  }
0x7: {  	_ = 	snop  }
__scs_overlays_trampoline_lowered:
0x8: {  	[smem:$0x3FAE] =	sst s0  }
0x9: {  	[smem:$0x3FAF] =	sst s1  }
0xa: {  	[smem:$0x3FB0] =	sst s2  }
0xb: {  	[smem:$0x3FB1] =	sst s3  }
0xc: {  	[smem:$0x3FB2] =	sst s4  }
0xd: {  	[smem:$0x3FB3] =	sst s5  }
0xe: {  	[smem:$0x3FB4] =	sst s6  }
0xf: {  	[smem:$0x3FB5] =	sst s7  }
0x10: {  	[smem:$0x3FB6] =	sst s8  }
0x11: {  	[smem:$0x3FB7] =	sst s9;
	s0 =	simm.s32 @!p0 $0x0  }
0x12: {  	s1 =	sld [smem:$0x3F9D];
	s0 =	simm.s32 @p0 $0x1  }
0x13: {  	[smem:$0x3FB8] =	sst s0;
	s0 =	simm.s32 @!p1 $0x0  }
0x14: {  	s2 =	sld [smem:$0x3F9C];
	s0 =	simm.s32 @p1 $0x1  }
0x15: {  	[smem:$0x3FB9] =	sst s0;
	s0 =	simm.s32 @!p2 $0x0  }
0x16: {  	s3 =	sld [smem:$0x3FDB];
	s0 =	simm.s32 @p2 $0x1  }
0x17: {  	s4 =	simm.s32 $0x1BF5;
	[smem:$0x3FBB] =	sst s0  }
0x18: {  	s0 =	sld [smem:$0x3F9E];
	_ =	swait.ge [sflag:s4], $0x0  }
0x19: {  	s7 =	sld [smem:$0x3F9F]  }
0x1a: {  	s8 =	sadd.s32 $0xFFFFE003, lr  }
0x1b: {  	s9 =	sadd.s32 $0xFFFFFEF7, lr;
	s5 =	simm.s32 $0xFFFFFFFF;
	p2 =	slt.u32 s8, $0xFFFFF086  }
0x1c: {  	p1 =	slt.u32 s9, $0xF7A;
	s5 =	simm.s32 @!p2 $0x0  }
0x1d: {  	s5 =	simm.s32 @p1 $0x1;
	p0 =	seq.s32 s7, s2  }
0x1e: {  	s7 =	smul.u32 @!p0 $0xF7A, s2;
	p2 =	seq.s32 @!p0 s5, $0x0  }
0x1f: {  	s9 =	smul.u32 $0xF7A, s1;
	s8 =	simm.s32 @!p0 $0x1BF5;
	p2 =	por !p2, p0  }
0x20: {  	[sflag:s8] =	ssyncset.s32 @!p0 $0xFFFFF086;
	s6 =	sadd.s32 @!p0 s3, s7;
	s7 =	simm.s32 @!p0 $0x108  }
0x21: {  	s3 =	sadd.s32 s3, s9;
	s6 =	sadd.s32 @!p0 $0x88, s6;
	s7 =	simm.s32 @p2 $0x1082  }
0x22: {  	[simem:s7], [sflag:s8] =	dma.local @!p0 [hbm:s6], $0xF7A  }
0x23: {  	s9 =	sor.u32 $0xD0000000, s2;
	s6 =	simm.s32 $0x108;
	_ =	swait.ge @!p0 [sflag:s8], $0x0  }
0x24: {  	s3 =	sadd.s32 $0x88, s3;
	s6 =	simm.s32 @!p1 $0x1082;
	[sflag:s4] =	ssyncset.s32 $0xFFFFF086  }
0x25: {  	[simem:s6], [sflag:s4] =	dma.local [hbm:s3], $0xF7A  }
0x26: {  	[smem:$0x3F9F] =	sst s1;
	(tag) =	ssettag s2;
	_ =	strace s9  }
0x27: {  	s1 =	sld [smem:$0x3FAF]  }
0x28: {  	s2 =	sld [smem:$0x3FB0]  }
0x29: {  	s4 =	sld [smem:$0x3FB2]  }
0x2a: {  	p0 =	seq.s32 s5, $0x0;
	s5 =	sld [smem:$0x3FB3]  }
0x2b: {  	s6 =	sld [smem:$0x3FB4]  }
0x2c: {  	s7 =	sld [smem:$0x3FB5]  }
0x2d: {  	s3 =	simm.s32 $0x108;
	s8 =	sld [smem:$0x3FB6]  }
0x2e: {  	s3 =	simm.s32 @!p0 $0x1082;
	s9 =	sld [smem:$0x3FB7]  }
0x2f: {  	lr =	sadd.s32 s0, s3;
	s0 =	sld [smem:$0x3FAE]  }
0x30: {  	s3 =	sld [smem:$0x3FB1]  }
0x31: {  	[smem:$0x3FBA] =	sst s10  }
0x32: {  	s10 =	sld [smem:$0x3FB8];
	_ =	sdelay $0x3  }
0x33: {  	p0 =	seq.s32 s10, $0x1;
	s10 =	sld [smem:$0x3FBA];
	_ =	sdelay $0x3  }
0x34: {  	[smem:$0x3FBA] =	sst s10  }
0x35: {  	s10 =	sld [smem:$0x3FB9];
	_ =	sdelay $0x3  }
0x36: {  	p1 =	seq.s32 s10, $0x1;
	s10 =	sld [smem:$0x3FBA];
	_ =	sdelay $0x3  }
0x37: {  	[smem:$0x3FBA] =	sst s10  }
0x38: {  	s10 =	sld [smem:$0x3FBB]  }
0x39: {  	_ = 	snop;
	(pc) =	sbr.ind lr, $3  }
0x3a: {  	_ = 	snop  }
0x3b: {  	_ = 	snop  }
0x3c: {  	p2 =	seq.s32 s10, $0x1;
	s10 =	sld [smem:$0x3FBA]  }
0x3d: {  	_ =	shalt  }
0x3e: {  	_ =	shalt  }
0x3f: {  	_ =	shalt  }
0x40: {  	_ =	shalt  }
0x41: {  	_ =	shalt  }
0x42: {  	_ =	shalt  }
0x43: {  	_ =	shalt  }
0x44: {  	_ =	shalt  }
0x45: {  	_ =	shalt  }
0x46: {  	_ =	shalt  }
0x47: {  	_ =	shalt  }
0x48: {  	_ =	shalt  }
0x49: {  	_ =	shalt  }
0x4a: {  	_ =	shalt  }
0x4b: {  	_ =	shalt  }
0x4c: {  	_ =	shalt  }
0x4d: {  	_ =	shalt  }
0x4e: {  	_ =	shalt  }
0x4f: {  	_ =	shalt  }
0x50: {  	_ =	shalt  }
0x51: {  	_ =	shalt  }
0x52: {  	_ =	shalt  }
0x53: {  	_ =	shalt  }
0x54: {  	_ =	shalt  }
0x55: {  	_ =	shalt  }
0x56: {  	_ =	shalt  }
0x57: {  	_ =	shalt  }
0x58: {  	_ =	shalt  }
0x59: {  	_ =	shalt  }
0x5a: {  	_ =	shalt  }
0x5b: {  	_ =	shalt  }
0x5c: {  	_ =	shalt  }
0x5d: {  	_ =	shalt  }
0x5e: {  	_ =	shalt  }
0x5f: {  	_ =	shalt  }
0x60: {  	_ =	shalt  }
0x61: {  	_ =	shalt  }
0x62: {  	_ =	shalt  }
0x63: {  	_ =	shalt  }
0x64: {  	_ =	shalt  }
0x65: {  	_ =	shalt  }
0x66: {  	_ =	shalt  }
0x67: {  	_ =	shalt  }
0x68: {  	_ =	shalt  }
0x69: {  	_ =	shalt  }
0x6a: {  	_ =	shalt  }
0x6b: {  	_ =	shalt  }
0x6c: {  	_ =	shalt  }
0x6d: {  	_ =	shalt  }
0x6e: {  	_ =	shalt  }
0x6f: {  	_ =	shalt  }
0x70: {  	_ =	shalt  }
0x71: {  	_ =	shalt  }
0x72: {  	_ =	shalt  }
0x73: {  	_ =	shalt  }
0x74: {  	_ =	shalt  }
0x75: {  	_ =	shalt  }
0x76: {  	_ =	shalt  }
0x77: {  	_ =	shalt  }
0x78: {  	_ =	shalt  }
0x79: {  	_ =	shalt  }
0x7a: {  	_ =	shalt  }
0x7b: {  	_ =	shalt  }
0x7c: {  	_ =	shalt  }
0x7d: {  	_ =	shalt  }
0x7e: {  	_ =	shalt  }
0x7f: {  	_ =	shalt  }
0x80: {  	_ =	shalt  }
0x81: {  	_ =	shalt  }
0x82: {  	_ =	shalt  }
0x83: {  	_ =	shalt  }
0x84: {  	_ =	shalt  }
0x85: {  	_ =	shalt  }
0x86: {  	_ =	shalt  }
0x87: {  	_ =	shalt  }
.Lfunc_end0:
.L_simem_size_0:
called_computation_lowered:
.L_overlay_start_0:
0x88: {  	s2 =	sld [smem:$0x3FD9]  }
0x89: {  	s3 =	sld [smem:$0x3FFE];
	_ =	sdelay $0x1  }
0x8a: {  	s1 =	srdreg.scid  }
0x8b: {  	s0 =	sand.u32 $0x1, s1  }
0x8c: {  	s17 =	sshll.u32 s0, $0xA;
	s2 =	sadd.s32 s3, s2  }
0x8d: {  	s2 =	sadd.s32 s2, s17  }
0x8e: {  	[smem:$0x3FC6] =	sst s2  }
0x8f: {  	_ = 	snop  }
0x90: {  	s2 =	sld [smem:$0x3FC8]  }
0x91: {  	s18 =	sld [smem:$0x3FD0];
	(tm) =	ssettm $0x1  }
0x92: {  	s4 =	sld [smem:$0x3FFB];
	_ =	sdelay $0x3  }
0x93: {  	_ =	strace s4  }
0x94: {  	s4 =	sld [smem:$0x3FFC];
	_ =	sdelay $0x3  }
0x95: {  	_ =	strace s4  }
0x96: {  	s4 =	sld [smem:$0x3FFD];
	_ =	sdelay $0x3  }
0x97: {  	_ =	strace s4  }
0x98: {  	_ =	strace $0x8FFFFFFF  }
0x99: {  	s19 =	sld [smem:$0x3FDB];
	_ =	sdelay $0x1  }
0x9a: {  	s5 =	simm.s32 $_scs_section_size  }
0x9b: {  	s6 =	simm.s32 $_size__tile_overlayer_lowered;
	s7 =	simm.s32 $_tile_overlayer_lowered  }
0x9c: {  	s22 =	simm.s32 $0x1BFF;
	s21 =	sshll.u32 s7, $0x1;
	s4 =	sadd.s32 s5, s19  }
0x9d: {  	s8 =	simm.s32 $0x0;
	s20 =	sshll.u32 s6, $0x1;
	s6 =	sadd.s32 s21, s4  }
0x9e: {  	[timem:s8], [sflag:s22] =	dma.local [hbm:s6], s20  }
0x9f: {  	_ =	swait.ge [sflag:s22], s20  }
0xa0: {  	s5 =	ssub.s32 $0x0, s20;
	[sflag:s22] =	ssyncset.done $0x0  }
0xa1: {  	[sflag:s22] =	ssyncadd.s32 s5;
	_ =	sdelay $0x1  }
0xa2: {  	s23 =	simm.s32 $0x1B8B  }
0xa3: {  	_ =	swait.ge [sflag:s23], $0x1  }
0xa4: {  	[sflag:s23] =	ssyncset.done $0x0  }
0xa5: {  	s25 =	simm.s32 $0x1B8E;
	s24 =	sld [smem:$0x3FFE];
	[sflag:s23] =	ssyncadd.s32 $0xFFFFFFFF  }
0xa6: {  	s26 =	simm.s32 $execute0_lowered;
	[smem:$0x3FD2] =	sst s25  }
0xa7: {  	s6 =	sshll.u32 s26, $0x1;
	_ =	strace $0x80000046;
	[dreg:$0x1] =	wrdreg $0xFFFFFFFF  }
0xa8: {  	s28 =	simm.s32 $_size_execute0_lowered;
	s4 =	sadd.s32 s4, s6;
	[dreg:$0x0] =	wrdreg $0x0  }
0xa9: {  	s6 =	sshll.u32 s28, $0x1;
	[dreg:$0x2] =	wrdreg s4  }
0xaa: {  	[dreg:$0x3] =	wrdreg s6  }
0xab: {  	[dreg:$0x4] =	wrdreg $0xC0  }
0xac: {  	_ =	task [dreg:s8], $0x5FFFF  }
0xad: {  	[dreg:$0x1] =	wrdreg $0xFFFFFFFF  }
0xae: {  	[dreg:$0x0] =	wrdreg $0x60  }
0xaf: {  	[dreg:$0x2] =	wrdreg s24  }
0xb0: {  	[dreg:$0x3] =	wrdreg s2  }
0xb1: {  	[dreg:$0x4] =	wrdreg s18  }
0xb2: {  	[dreg:$0x5] =	wrdreg $0x9  }
0xb3: {  	_ =	task.clear_ibuf [dreg:s8], $0x6FFFF;
	_ =	strace $0x90000046  }
0xb4: {  	s29 =	simm.s32 $0x9;
	_ =	strace $0x80000048  }
0xb5: {  	_ =	swait.ge [sflag:s29], $0x1  }
0xb6: {  	[sflag:s29] =	ssyncadd.s32 $0xFFFFFFFF  }
0xb7: {  	_ =	strace $0x90000048  }
0xb8: {  	_ =	sfence  }
0xb9: {  	s30 =	sld [smem:$0x0];
	_ =	sdelay $0x2  }
0xba: {  	s31 =	sshll.u32 s1, $0xD;
	s1 =	sshrl.u32 s1, $0x2  }
0xbb: {  	s3 =	sand.u32 $0x4000, s31;
	s1 =	sadd.s32 s1, s30  }
0xbc: {  	s0 =	sor.u32 s3, s0;
	s1 =	sshll.u32 s1, $0x11  }
0xbd: {  	s0 =	sor.u32 s1, s0  }
0xbe: {  	s0 =	sadd.s32 $0x8F2B, s0  }
0xbf: {  	[sflag:s0] =	ssyncadd.remote.s32 $0x1  }
0xc0: {  	_ =	sfence.sel $0xFFFF  }
0xc1: {  	[dreg:$0x0] =	wrdreg $0xFFFFFFFF;
	(pc) =	sbr.abs _section_cstart, $3  }
0xc2: {  	[dreg:$0x1] =	wrdreg $0xFFFFFFFF  }
0xc3: {  	_ =	task.clear_ibuf [dreg:s8], $0x2FFFF;
	_ =	strace $0x9FFFFFFF  }
0xc4: {  	(tm) =	ssettm $0x7FFFFFFF  }
0xc5: {  	_ =	shalt  }
tec
execute0_lowered:
.L_overlay_start_1:
0x0: {  	(tag) =	ssettag $0x1  }
0x1: {  	s0 =	srdreg.scid  }
0x2: {  	s26 =	sand.u32 $0x1, s0  }
0x3: {  	s4 =	rddreg [dreg:$0x0];
	s0 =	stileid.u32;
	s1 =	sshll.u32 s26, $0x4  }
0x4: {  	s2 =	rddreg [dreg:$0x1];
	s12 =	sor.u32 s0, s1  }
0x5: {  	s14 =	rddreg [dreg:$0x2];
	s3 =	simm.s32 $0x0;
	s5 =	smul.u32 $0x1A0, s12  }
0x6: {  	[smem:$0x7FF] =	sst s3  }
0x7: {  	s1 =	rddreg [dreg:$0x3];
	s4 =	sadd.s32 s5, s4  }
0x8: {  	_ =	strace $0x80000047;
	s5 =	simm.s32 $0x5;
	s4 =	sadd.s32 $0x400, s4  }
0x9: {  	[tilespmem:s3], [sflag:$0x5] =	stream.linear.gather [hbm4b:s4+s3], $0xD00, $0x38;
	[tilespmem:$0x1AD00] =	vst v63  }
0xa: {  	_ =	swait.ge [sflag:s5], $0xD00  }
0xb: {  	[sflag:s5] =	ssyncset.done $0x0  }
0xc: {  	s6 =	simm.s32 $0x1A0;
	s7 =	simm.s32 $0xD00;
	[sflag:s5] =	ssyncadd.s32 $0xFFFFF300  }
0xd: {  	[tilespmem:s7], [sflag:$0x1] =	stream.indirect.gather [hbm4b:s2+s6], $0x80, s3, s6, $0xb8;
	[tilespmem:$0x1AD00] =	vst v63  }
0xe: {  	s8 =	simm.s32 $0xDD00;
	s9 =	simm.s32 $0x1  }
0xf: {  	[tilespmem:s8], [sflag:$0x2] =	stream.indirect.gather [hbm4b:s2+s6], $0x80, s6, s6, $0xb8;
	[tilespmem:$0x1AD00] =	vst v63  }
0x10: {  	s10 =	smul.u32 $0xD000, s12;
	_ =	swait.ge [sflag:s9], $0xD000  }
0x11: {  	[sflag:s9] =	ssyncset.done $0x0  }
0x12: {  	s11 =	simm.s32 $0x3;
	s10 =	sadd.s32 s14, s10;
	[sflag:s9] =	ssyncadd.s32 $0xFFFF3000  }
0x13: {  	[hbm4b:s10+s3] =	stream.linear.scatter [tilespmem:s7], [sflag:$0x3], $0xD000, $0x38;
	[tilespmem:$0x1AD00] =	vst v63  }
0x14: {  	_ =	swait.ge [sflag:s11], $0xD000  }
0x15: {  	s13 =	simm.s32 $0x2;
	[sflag:s11] =	ssyncset.done $0x0  }
0x16: {  	s15 =	smul.u32 $0x68000, s12;
	s12 =	simm.s32 $0x340;
	[sflag:s11] =	ssyncadd.s32 $0xFFFF3000  }
0x17: {  	[tilespmem:s7], [sflag:$0x1] =	stream.indirect.gather [hbm4b:s2+s6], $0x80, s12, s6, $0xb8;
	[tilespmem:$0x1AD00] =	vst v63  }
0x18: {  	s15 =	sshrl.u32 s15, $0x3;
	_ =	swait.ge [sflag:s13], $0xD000  }
0x19: {  	s28 =	sadd.s32 s14, s15;
	[sflag:s13] =	ssyncset.done $0x0  }
0x1a: {  	s14 =	simm.s32 $0x4;
	s15 =	sadd.s32 $0x1A00, s28;
	[sflag:s13] =	ssyncadd.s32 $0xFFFF3000  }
0x1b: {  	[hbm4b:s15+s3] =	stream.linear.scatter [tilespmem:s8], [sflag:$0x4], $0xD000, $0x38;
	[tilespmem:$0x1AD00] =	vst v63  }
0x1c: {  	_ =	swait.ge [sflag:s14], $0xD000  }
0x1d: {  	[sflag:s14] =	ssyncset.done $0x0  }
0x1e: {  	s16 =	simm.s32 $0x4E0;
	[sflag:s14] =	ssyncadd.s32 $0xFFFF3000  }
0x1f: {  	[tilespmem:s8], [sflag:$0x2] =	stream.indirect.gather [hbm4b:s2+s6], $0x80, s16, s6, $0xb8;
	[tilespmem:$0x1AD00] =	vst v63  }
0x20: {  	_ =	swait.ge [sflag:s9], $0xD000  }
0x21: {  	[sflag:s9] =	ssyncset.done $0x0  }
0x22: {  	s17 =	sadd.s32 $0x3400, s28;
	[sflag:s9] =	ssyncadd.s32 $0xFFFF3000  }
0x23: {  	[hbm4b:s17+s3] =	stream.linear.scatter [tilespmem:s7], [sflag:$0x3], $0xD000, $0x38;
	[tilespmem:$0x1AD00] =	vst v63  }
0x24: {  	_ =	swait.ge [sflag:s11], $0xD000  }
0x25: {  	[sflag:s11] =	ssyncset.done $0x0  }
0x26: {  	s18 =	simm.s32 $0x680;
	[sflag:s11] =	ssyncadd.s32 $0xFFFF3000  }
0x27: {  	[tilespmem:s7], [sflag:$0x1] =	stream.indirect.gather [hbm4b:s2+s6], $0x80, s18, s6, $0xb8;
	[tilespmem:$0x1AD00] =	vst v63  }
0x28: {  	_ =	swait.ge [sflag:s13], $0xD000  }
0x29: {  	[sflag:s13] =	ssyncset.done $0x0  }
0x2a: {  	s19 =	sadd.s32 $0x4E00, s28;
	[sflag:s13] =	ssyncadd.s32 $0xFFFF3000  }
0x2b: {  	[hbm4b:s19+s3] =	stream.linear.scatter [tilespmem:s8], [sflag:$0x4], $0xD000, $0x38;
	[tilespmem:$0x1AD00] =	vst v63  }
0x2c: {  	_ =	swait.ge [sflag:s14], $0xD000  }
0x2d: {  	[sflag:s14] =	ssyncset.done $0x0  }
0x2e: {  	s20 =	simm.s32 $0x820;
	[sflag:s14] =	ssyncadd.s32 $0xFFFF3000  }
0x2f: {  	[tilespmem:s8], [sflag:$0x2] =	stream.indirect.gather [hbm4b:s2+s6], $0x80, s20, s6, $0xb8;
	[tilespmem:$0x1AD00] =	vst v63  }
0x30: {  	_ =	swait.ge [sflag:s9], $0xD000  }
0x31: {  	[sflag:s9] =	ssyncset.done $0x0  }
0x32: {  	s21 =	sadd.s32 $0x6800, s28;
	[sflag:s9] =	ssyncadd.s32 $0xFFFF3000  }
0x33: {  	[hbm4b:s21+s3] =	stream.linear.scatter [tilespmem:s7], [sflag:$0x3], $0xD000, $0x38;
	[tilespmem:$0x1AD00] =	vst v63  }
0x34: {  	_ =	swait.ge [sflag:s11], $0xD000  }
0x35: {  	[sflag:s11] =	ssyncset.done $0x0  }
0x36: {  	s22 =	simm.s32 $0x9C0;
	[sflag:s11] =	ssyncadd.s32 $0xFFFF3000  }
0x37: {  	[tilespmem:s7], [sflag:$0x1] =	stream.indirect.gather [hbm4b:s2+s6], $0x80, s22, s6, $0xb8;
	[tilespmem:$0x1AD00] =	vst v63  }
0x38: {  	_ =	swait.ge [sflag:s13], $0xD000  }
0x39: {  	[sflag:s13] =	ssyncset.done $0x0  }
0x3a: {  	s23 =	sadd.s32 $0x8200, s28;
	[sflag:s13] =	ssyncadd.s32 $0xFFFF3000  }
0x3b: {  	[hbm4b:s23+s3] =	stream.linear.scatter [tilespmem:s8], [sflag:$0x4], $0xD000, $0x38;
	[tilespmem:$0x1AD00] =	vst v63  }
0x3c: {  	_ =	swait.ge [sflag:s14], $0xD000  }
0x3d: {  	[sflag:s14] =	ssyncset.done $0x0  }
0x3e: {  	s24 =	simm.s32 $0xB60;
	[sflag:s14] =	ssyncadd.s32 $0xFFFF3000  }
0x3f: {  	[tilespmem:s8], [sflag:$0x2] =	stream.indirect.gather [hbm4b:s2+s6], $0x80, s24, s6, $0xb8;
	[tilespmem:$0x1AD00] =	vst v63  }
0x40: {  	_ =	swait.ge [sflag:s9], $0xD000  }
0x41: {  	s29 =	ssub.s32 $0x2, s26;
	s25 =	sadd.s32 $0x9C00, s28;
	[sflag:s9] =	ssyncset.done $0x0  }
0x42: {  	s26 =	sadd.s32 $0xB600, s28;
	s28 =	sshrl.u32 s29, $0x1;
	[sflag:s9] =	ssyncadd.s32 $0xFFFF3000  }
0x43: {  	[hbm4b:s25+s3] =	stream.linear.scatter [tilespmem:s7], [sflag:$0x3], $0xD000, $0x38;
	[tilespmem:$0x1AD00] =	vst v63  }
0x44: {  	s28 =	ssub.s32 s29, s28;
	_ =	swait.ge [sflag:s13], $0xD000  }
0x45: {  	s28 =	smax.u32 s28, $0x1;
	[sflag:s13] =	ssyncset.done $0x0  }
0x46: {  	p0 =	sne.s32 s28, $0x1;
	[sflag:s13] =	ssyncadd.s32 $0xFFFF3000  }
0x47: {  	[hbm4b:s26+s3] =	stream.linear.scatter [tilespmem:s8], [sflag:$0x4], $0xD000, $0x38;
	[tilespmem:$0x1AD00] =	vst v63  }
.Ltmp0:
0x48: {  	_ =	swait.ge [sflag:s11], $0xD000;
	(pc) =	sbr.rel @!p0 .LBB2_2-.Ltmp0, $4  }
0x49: {  	[sflag:s11] =	ssyncset.done $0x0  }
0x4a: {  	[sflag:s11] =	ssyncadd.s32 $0xFFFF3000  }
0x4b: {  	_ =	swait.ge [sflag:s14], $0xD000  }
0x4c: {  	s28 =	sadd.s32 $0xFFFFFFFF, s28;
	[sflag:s14] =	ssyncset.done $0x0  }
.LBB2_1:
0x4d: {  	p0 =	sne.s32 s28, $0x1;
	s28 =	sadd.s32 $0xFFFFFFFF, s28;
	[sflag:s14] =	ssyncadd.s32 $0xFFFF3000  }
0x4e: {  	[tilespmem:s3], [sflag:$0x5] =	stream.linear.gather [hbm4b:s4+s3], $0xD00, $0x38;
	[tilespmem:$0x1AD00] =	vst v63  }
0x4f: {  	_ =	swait.ge [sflag:s5], $0xD00  }
0x50: {  	[sflag:s5] =	ssyncset.done $0x0  }
0x51: {  	[sflag:s5] =	ssyncadd.s32 $0xFFFFF300  }
0x52: {  	[tilespmem:s7], [sflag:$0x1] =	stream.indirect.gather [hbm4b:s2+s6], $0x80, s3, s6, $0xb8;
	[tilespmem:$0x1AD00] =	vst v63  }
0x53: {  	_ = 	snop  }
0x54: {  	[tilespmem:s8], [sflag:$0x2] =	stream.indirect.gather [hbm4b:s2+s6], $0x80, s6, s6, $0xb8;
	[tilespmem:$0x1AD00] =	vst v63  }
0x55: {  	_ =	swait.ge [sflag:s9], $0xD000  }
0x56: {  	[sflag:s9] =	ssyncset.done $0x0  }
0x57: {  	[sflag:s9] =	ssyncadd.s32 $0xFFFF3000  }
0x58: {  	[hbm4b:s10+s3] =	stream.linear.scatter [tilespmem:s7], [sflag:$0x3], $0xD000, $0x38;
	[tilespmem:$0x1AD00] =	vst v63  }
0x59: {  	_ =	swait.ge [sflag:s11], $0xD000  }
0x5a: {  	[sflag:s11] =	ssyncset.done $0x0  }
0x5b: {  	[sflag:s11] =	ssyncadd.s32 $0xFFFF3000  }
0x5c: {  	[tilespmem:s7], [sflag:$0x1] =	stream.indirect.gather [hbm4b:s2+s6], $0x80, s12, s6, $0xb8;
	[tilespmem:$0x1AD00] =	vst v63  }
0x5d: {  	_ =	swait.ge [sflag:s13], $0xD000  }
0x5e: {  	[sflag:s13] =	ssyncset.done $0x0  }
0x5f: {  	[sflag:s13] =	ssyncadd.s32 $0xFFFF3000  }
0x60: {  	[hbm4b:s15+s3] =	stream.linear.scatter [tilespmem:s8], [sflag:$0x4], $0xD000, $0x38;
	[tilespmem:$0x1AD00] =	vst v63  }
0x61: {  	_ =	swait.ge [sflag:s14], $0xD000  }
0x62: {  	[sflag:s14] =	ssyncset.done $0x0  }
0x63: {  	[sflag:s14] =	ssyncadd.s32 $0xFFFF3000  }
0x64: {  	[tilespmem:s8], [sflag:$0x2] =	stream.indirect.gather [hbm4b:s2+s6], $0x80, s16, s6, $0xb8;
	[tilespmem:$0x1AD00] =	vst v63  }
0x65: {  	_ =	swait.ge [sflag:s9], $0xD000  }
0x66: {  	[sflag:s9] =	ssyncset.done $0x0  }
0x67: {  	[sflag:s9] =	ssyncadd.s32 $0xFFFF3000  }
0x68: {  	[hbm4b:s17+s3] =	stream.linear.scatter [tilespmem:s7], [sflag:$0x3], $0xD000, $0x38;
	[tilespmem:$0x1AD00] =	vst v63  }
0x69: {  	_ =	swait.ge [sflag:s11], $0xD000  }
0x6a: {  	[sflag:s11] =	ssyncset.done $0x0  }
0x6b: {  	[sflag:s11] =	ssyncadd.s32 $0xFFFF3000  }
0x6c: {  	[tilespmem:s7], [sflag:$0x1] =	stream.indirect.gather [hbm4b:s2+s6], $0x80, s18, s6, $0xb8;
	[tilespmem:$0x1AD00] =	vst v63  }
0x6d: {  	_ =	swait.ge [sflag:s13], $0xD000  }
0x6e: {  	[sflag:s13] =	ssyncset.done $0x0  }
0x6f: {  	[sflag:s13] =	ssyncadd.s32 $0xFFFF3000  }
0x70: {  	[hbm4b:s19+s3] =	stream.linear.scatter [tilespmem:s8], [sflag:$0x4], $0xD000, $0x38;
	[tilespmem:$0x1AD00] =	vst v63  }
0x71: {  	_ =	swait.ge [sflag:s14], $0xD000  }
0x72: {  	[sflag:s14] =	ssyncset.done $0x0  }
0x73: {  	[sflag:s14] =	ssyncadd.s32 $0xFFFF3000  }
0x74: {  	[tilespmem:s8], [sflag:$0x2] =	stream.indirect.gather [hbm4b:s2+s6], $0x80, s20, s6, $0xb8;
	[tilespmem:$0x1AD00] =	vst v63  }
0x75: {  	_ =	swait.ge [sflag:s9], $0xD000  }
0x76: {  	[sflag:s9] =	ssyncset.done $0x0  }
0x77: {  	[sflag:s9] =	ssyncadd.s32 $0xFFFF3000  }
0x78: {  	[hbm4b:s21+s3] =	stream.linear.scatter [tilespmem:s7], [sflag:$0x3], $0xD000, $0x38;
	[tilespmem:$0x1AD00] =	vst v63  }
0x79: {  	_ =	swait.ge [sflag:s11], $0xD000  }
0x7a: {  	[sflag:s11] =	ssyncset.done $0x0  }
0x7b: {  	[sflag:s11] =	ssyncadd.s32 $0xFFFF3000  }
0x7c: {  	[tilespmem:s7], [sflag:$0x1] =	stream.indirect.gather [hbm4b:s2+s6], $0x80, s22, s6, $0xb8;
	[tilespmem:$0x1AD00] =	vst v63  }
0x7d: {  	_ =	swait.ge [sflag:s13], $0xD000  }
0x7e: {  	[sflag:s13] =	ssyncset.done $0x0  }
0x7f: {  	[sflag:s13] =	ssyncadd.s32 $0xFFFF3000  }
0x80: {  	[hbm4b:s23+s3] =	stream.linear.scatter [tilespmem:s8], [sflag:$0x4], $0xD000, $0x38;
	[tilespmem:$0x1AD00] =	vst v63  }
0x81: {  	_ =	swait.ge [sflag:s14], $0xD000  }
0x82: {  	[sflag:s14] =	ssyncset.done $0x0  }
0x83: {  	[sflag:s14] =	ssyncadd.s32 $0xFFFF3000  }
0x84: {  	[tilespmem:s8], [sflag:$0x2] =	stream.indirect.gather [hbm4b:s2+s6], $0x80, s24, s6, $0xb8;
	[tilespmem:$0x1AD00] =	vst v63  }
0x85: {  	_ =	swait.ge [sflag:s9], $0xD000  }
0x86: {  	[sflag:s9] =	ssyncset.done $0x0  }
0x87: {  	[sflag:s9] =	ssyncadd.s32 $0xFFFF3000  }
0x88: {  	[hbm4b:s25+s3] =	stream.linear.scatter [tilespmem:s7], [sflag:$0x3], $0xD000, $0x38;
	[tilespmem:$0x1AD00] =	vst v63  }
0x89: {  	_ =	swait.ge [sflag:s13], $0xD000  }
0x8a: {  	[sflag:s13] =	ssyncset.done $0x0  }
0x8b: {  	[sflag:s13] =	ssyncadd.s32 $0xFFFF3000  }
0x8c: {  	[hbm4b:s26+s3] =	stream.linear.scatter [tilespmem:s8], [sflag:$0x4], $0xD000, $0x38;
	[tilespmem:$0x1AD00] =	vst v63  }
.Ltmp1:
0x8d: {  	_ =	swait.ge [sflag:s11], $0xD000;
	(pc) =	sbr.rel @p0 .LBB2_1-.Ltmp1, $4  }
0x8e: {  	[sflag:s11] =	ssyncset.done $0x0  }
0x8f: {  	[sflag:s11] =	ssyncadd.s32 $0xFFFF3000  }
0x90: {  	_ =	swait.ge [sflag:s14], $0xD000  }
0x91: {  	[sflag:s14] =	ssyncset.done $0x0  }
.LBB2_2:
0x92: {  	[sflag:s14] =	ssyncadd.s32 $0xFFFF3000  }
0x93: {  	_ =	sfence.sel $0x180000  }
0x94: {  	[bflag:$0x0] =	sbarrier.arrive $0xFFFF  }
0x95: {  	p0 =	sne.s32 s0, $0x0;
	_ =	strace $0x90000047  }
0x96: {  	s0 =	sadd.s32 @!p0 $0x100000, s1;
	[bflag:$0x2] =	sbarrier.arrive $0xFFFF  }
0x97: {  	[sflag:s0] =	ssyncadd.tile.s32 @!p0 $0x1;
	_ =	shalt  }
.Lfunc_end2:
_tile_overlayer_lowered:
.L_overlay_start_2:
0x98: {  	(tag) =	ssettag $0x2  }
0x99: {  	s0 =	rddreg [dreg:$0x0];
	s2 =	stileid.u32  }
0x9a: {  	s1 =	rddreg [dreg:$0x1];
	p0 =	sne.s32 s2, $0x0  }
0x9b: {  	s3 =	rddreg [dreg:$0x2];
	[bflag:$0x3] =	sbarrier.arrive $0xFFFF;
	s2 =	simm.s32 @!p0 $0x1C05  }
0x9c: {  	[timem:s3], [sflag:s2] =	dma.local @!p0 [hbm:s0], s1  }
0x9d: {  	s0 =	simm.s32 @!p0 $0x5  }
0x9e: {  	_ =	swait.ge @!p0 [sflag:s0], s1  }
0x9f: {  	s1 =	ssub.s32 @!p0 $0x0, s1;
	[sflag:s0] =	ssyncset.done @!p0 $0x0  }
0xa0: {  	[sflag:s0] =	ssyncadd.s32 @!p0 s1  }
0xa1: {  	[bflag:$0x3] =	sbarrier.arrive $0xFFFF  }
0xa2: {  	_ =	shalt  }

</sc_bundles>
